<compile_context>
chip_gen: v7x
topology: tpu7x:2x2x1
jax: 0.10.2.dev20260603
libtpu: 0.0.44.dev20260713+nightly
codegen_flags: <defaults>
</compile_context>

<pallas_src>
import functools

import jax
import jax.numpy as jnp
from jax import lax
from jax.experimental import pallas as pl
from jax.experimental.pallas import tpu as pltpu
from jax.experimental.pallas import tpu_sc as plsc

VOCAB = 1000000
EMBED = 64
BATCH = 16384
NEG_K = 20

NC = 2
NS = 16
NW = NC * NS

B_W = BATCH // NW

_mesh = plsc.VectorSubcoreMesh(
    core_axis_name="c", subcore_axis_name="s", num_cores=NC, num_subcores=NS
)


@functools.partial(
    pl.kernel,
    out_type=(
        jax.ShapeDtypeStruct((BATCH, EMBED), jnp.float32),
        jax.ShapeDtypeStruct((BATCH, EMBED), jnp.float32),
        jax.ShapeDtypeStruct((BATCH, NEG_K * EMBED), jnp.float32),
    ),
    mesh=_mesh,
    scratch_types=[
        pltpu.VMEM((B_W,), jnp.int32),
        pltpu.VMEM((B_W,), jnp.int32),
        pltpu.VMEM((NEG_K, B_W), jnp.int32),
        pltpu.VMEM((B_W, EMBED), jnp.float32),
        pltpu.VMEM((B_W, EMBED), jnp.float32),
        pltpu.SemaphoreType.DMA,
        pltpu.SemaphoreType.DMA,
        pltpu.SemaphoreType.DMA,
    ],
    compiler_params=pltpu.CompilerParams(use_tc_tiling_on_sc=False),
)
def _sc_gather(center_hbm, pos_hbm, negt_hbm, in_hbm, out_hbm,
               o_center, o_pos, o_neg,
               idxc, idxp, idxn, bufa, bufb, semi, sema, semb):
    wid = lax.axis_index("s") * NC + lax.axis_index("c")
    base = pl.multiple_of(wid * B_W, B_W)

    di = pltpu.async_copy(center_hbm.at[pl.ds(base, B_W)], idxc, semi)
    dp = pltpu.async_copy(pos_hbm.at[pl.ds(base, B_W)], idxp, semi)
    dn = pltpu.async_copy(negt_hbm.at[:, pl.ds(base, B_W)], idxn, semi)
    di.wait()
    ga = pltpu.async_copy(in_hbm.at[idxc], bufa, sema)
    dp.wait()
    gb = pltpu.async_copy(out_hbm.at[idxp], bufb, semb)
    ga.wait()
    pltpu.sync_copy(bufa, o_center.at[pl.ds(base, B_W)])
    dn.wait()
    pltpu.async_copy(out_hbm.at[idxn.at[0]], bufa, sema)
    gb.wait()
    pltpu.sync_copy(bufb, o_pos.at[pl.ds(base, B_W)])
    pltpu.async_copy(out_hbm.at[idxn.at[1]], bufb, semb)

    def neg_out(k):
        return o_neg.at[pl.ds(base, B_W),
                        pl.ds(pl.multiple_of(k * EMBED, EMBED), EMBED)]

    def neg_pair(j, _):
        ka = j * 2
        pltpu.make_async_copy(out_hbm.at[pl.ds(0, B_W)], bufa, sema).wait()
        pltpu.sync_copy(bufa, neg_out(ka))
        pltpu.async_copy(out_hbm.at[idxn.at[ka + 2]], bufa, sema)
        pltpu.make_async_copy(out_hbm.at[pl.ds(0, B_W)], bufb, semb).wait()
        pltpu.sync_copy(bufb, neg_out(ka + 1))
        pltpu.async_copy(out_hbm.at[idxn.at[ka + 3]], bufb, semb)
        return ()
    lax.fori_loop(0, (NEG_K - 2) // 2, neg_pair, ())

    pltpu.make_async_copy(out_hbm.at[pl.ds(0, B_W)], bufa, sema).wait()
    pltpu.sync_copy(bufa, neg_out(NEG_K - 2))
    pltpu.make_async_copy(out_hbm.at[pl.ds(0, B_W)], bufb, semb).wait()
    pltpu.sync_copy(bufb, neg_out(NEG_K - 1))


@jax.jit
def kernel(center_word, pos_word, neg_word, in_embed, out_embed):
    emb, pos, neg = _sc_gather(center_word, pos_word, neg_word.T,
                               in_embed, out_embed)
    return emb, pos, neg.reshape(BATCH, NEG_K, EMBED)

# --- scband reference (transcript-rebuilt; emitter-appended) ---
"""Pipeline reference for scband-embedding-model-30940944400785 (READ-ONLY COPY).

The authoritative reference and input builder live on the scoring server;
editing this copy changes nothing except your own understanding.
"""

import jax, jax.numpy as jnp
import numpy as np

VOCAB = 1000000
EMBED = 64
BATCH = 16384
NEG_K = 20

def setup_inputs(seed: int = 0) -> dict:
    key = jax.random.key(seed)
    k1, k2, k3, k4, k5 = jax.random.split(key, 5)
    center_word = jax.random.randint(k1, (BATCH,), 0, VOCAB, dtype=jnp.int64 if jax.config.jax_enable_x64 else jnp.int32).astype(jnp.int32)
    pos_word = jax.random.randint(k2, (BATCH,), 0, VOCAB).astype(jnp.int32)
    neg_word = jax.random.randint(k3, (BATCH, NEG_K), 0, VOCAB).astype(jnp.int32)
    in_embed = (jax.random.normal(k4, (VOCAB, EMBED), dtype=jnp.float32) * 0.02)
    out_embed = (jax.random.normal(k5, (VOCAB, EMBED), dtype=jnp.float32) * 0.02)
    return {"center_word": center_word, "pos_word": pos_word, "neg_word": neg_word,
            "in_embed": in_embed, "out_embed": out_embed}

def reference(center_word, pos_word, neg_word, in_embed, out_embed):
    # Faithful translation of Embedding_model.forward: three embedding gathers
    # (skip-gram with negative sampling lookups).
    embedding = jnp.take(in_embed, center_word, axis=0)      # [B, D]
    pos_out = jnp.take(out_embed, pos_word, axis=0)          # [B, D]
    neg_out = jnp.take(out_embed, neg_word, axis=0)          # [B, K, D]
    return (embedding, pos_out, neg_out)

if __name__ == "__main__":
    import jax
    _d = setup_inputs()
    print(jax.jit(kernel)(*tuple(_d.values())))

</pallas_src>

<mosaic_0001>
#map = affine_map<(d0, d1) -> (0)>
#map1 = affine_map<(d0, d1) -> (0, 0)>
module attributes {stable_mosaic.version = 14 : i64} {
  func.func @_sc_gather(%arg0: i32, %arg1: i32, %arg2: memref<16384xi32, #tpu.memory_space<hbm>>, %arg3: memref<16384xi32, #tpu.memory_space<hbm>>, %arg4: memref<20x16384xi32, #tpu.memory_space<hbm>>, %arg5: memref<1000000x64xf32, #tpu.memory_space<hbm>>, %arg6: memref<1000000x64xf32, #tpu.memory_space<hbm>>, %arg7: memref<16384x64xf32, #tpu.memory_space<hbm>>, %arg8: memref<16384x64xf32, #tpu.memory_space<hbm>>, %arg9: memref<16384x1280xf32, #tpu.memory_space<hbm>>, %arg10: memref<512xi32, #tpu.memory_space<vmem>>, %arg11: memref<512xi32, #tpu.memory_space<vmem>>, %arg12: memref<20x512xi32, #tpu.memory_space<vmem>>, %arg13: memref<512x64xf32, #tpu.memory_space<vmem>>, %arg14: memref<512x64xf32, #tpu.memory_space<vmem>>, %arg15: memref<!tpu.dma_semaphore, #tpu.memory_space<semaphore_mem>>, %arg16: memref<!tpu.dma_semaphore, #tpu.memory_space<semaphore_mem>>, %arg17: memref<!tpu.dma_semaphore, #tpu.memory_space<semaphore_mem>>) attributes {dimension_semantics = [#tpu.dimension_semantics<core_parallel>, #tpu.dimension_semantics<subcore_parallel>], iteration_bounds = array<i64: 2, 16>, scalar_prefetch = 0 : i64, scratch_operands = 8 : i64, tpu.core_type = #tpu.core_type<sc_vector_subcore>, window_params = [{transform_indices = #map}, {transform_indices = #map}, {transform_indices = #map1}, {transform_indices = #map1}, {transform_indices = #map1}, {transform_indices = #map1}, {transform_indices = #map1}, {transform_indices = #map1}]} {
    %mul3A = arith.constant 2 : i32
    %mul3A_0 = arith.muli %arg1, %mul3A : i32
    %add3A = arith.addi %mul3A_0, %arg0 : i32
    %mul3A_1 = arith.constant 512 : i32
    %mul3A_2 = arith.muli %add3A, %mul3A_1 : i32
    %multiple_of3A = tpu.assume_multiple %mul3A_2, 512 : i32
    %dma_start3A = tpu.memref_slice %arg2[%multiple_of3A] : memref<16384xi32, #tpu.memory_space<hbm>> -> memref<512xi32, #tpu.memory_space<hbm>>
    %dma_start3A_3 = tpu.memref_slice %arg2[%multiple_of3A] : memref<16384xi32, #tpu.memory_space<hbm>> -> memref<512xi32, #tpu.memory_space<hbm>>
    tpu.enqueue_dma source(%dma_start3A_3 : memref<512xi32, #tpu.memory_space<hbm>>) target(%arg10 : memref<512xi32, #tpu.memory_space<vmem>>) target_semaphore(%arg15 : memref<!tpu.dma_semaphore, #tpu.memory_space<semaphore_mem>>)
    %dma_start3A_4 = tpu.memref_slice %arg3[%multiple_of3A] : memref<16384xi32, #tpu.memory_space<hbm>> -> memref<512xi32, #tpu.memory_space<hbm>>
    %dma_start3A_5 = tpu.memref_slice %arg3[%multiple_of3A] : memref<16384xi32, #tpu.memory_space<hbm>> -> memref<512xi32, #tpu.memory_space<hbm>>
    tpu.enqueue_dma source(%dma_start3A_5 : memref<512xi32, #tpu.memory_space<hbm>>) target(%arg11 : memref<512xi32, #tpu.memory_space<vmem>>) target_semaphore(%arg15 : memref<!tpu.dma_semaphore, #tpu.memory_space<semaphore_mem>>)
    %dma_start3A_6 = arith.constant 0 : i32
    %dma_start3A_7 = tpu.memref_slice %arg4[%dma_start3A_6, %multiple_of3A] : memref<20x16384xi32, #tpu.memory_space<hbm>> -> memref<20x512xi32, #tpu.memory_space<hbm>>
    %dma_start3A_8 = arith.constant 0 : i32
    %dma_start3A_9 = tpu.memref_slice %arg4[%dma_start3A_8, %multiple_of3A] : memref<20x16384xi32, #tpu.memory_space<hbm>> -> memref<20x512xi32, #tpu.memory_space<hbm>>
    tpu.enqueue_dma source(%dma_start3A_9 : memref<20x512xi32, #tpu.memory_space<hbm>>) target(%arg12 : memref<20x512xi32, #tpu.memory_space<vmem>>) target_semaphore(%arg15 : memref<!tpu.dma_semaphore, #tpu.memory_space<semaphore_mem>>)
    %dma_wait3A = tpu.memref_slice %arg2[%multiple_of3A] : memref<16384xi32, #tpu.memory_space<hbm>> -> memref<512xi32, #tpu.memory_space<hbm>>
    %dma_wait3A_10 = tpu.memref_slice %arg2[%multiple_of3A] : memref<16384xi32, #tpu.memory_space<hbm>> -> memref<512xi32, #tpu.memory_space<hbm>>
    tpu.wait_dma2 semaphore(%arg15 : memref<!tpu.dma_semaphore, #tpu.memory_space<semaphore_mem>>) src(%dma_wait3A_10 : memref<512xi32, #tpu.memory_space<hbm>>) dst(%arg10 : memref<512xi32, #tpu.memory_space<vmem>>)
    %dma_start3A_11 = arith.constant 0 : i32
    %dma_start3A_12 = arith.constant 0 : i32
    %dma_start3A_13 = tpu.memref_slice %arg5[%dma_start3A_11, %dma_start3A_12] : memref<1000000x64xf32, #tpu.memory_space<hbm>> -> memref<1000000x64xf32, #tpu.memory_space<hbm>>
    tpu.enqueue_indirect_dma source(%dma_start3A_13 : memref<1000000x64xf32, #tpu.memory_space<hbm>>) target(%arg13 : memref<512x64xf32, #tpu.memory_space<vmem>>) offsets(%arg10 : memref<512xi32, #tpu.memory_space<vmem>>) semaphore(%arg16 : memref<!tpu.dma_semaphore, #tpu.memory_space<semaphore_mem>>)
    %dma_wait3A_14 = tpu.memref_slice %arg3[%multiple_of3A] : memref<16384xi32, #tpu.memory_space<hbm>> -> memref<512xi32, #tpu.memory_space<hbm>>
    %dma_wait3A_15 = tpu.memref_slice %arg3[%multiple_of3A] : memref<16384xi32, #tpu.memory_space<hbm>> -> memref<512xi32, #tpu.memory_space<hbm>>
    tpu.wait_dma2 semaphore(%arg15 : memref<!tpu.dma_semaphore, #tpu.memory_space<semaphore_mem>>) src(%dma_wait3A_15 : memref<512xi32, #tpu.memory_space<hbm>>) dst(%arg11 : memref<512xi32, #tpu.memory_space<vmem>>)
    %dma_start3A_16 = arith.constant 0 : i32
    %dma_start3A_17 = arith.constant 0 : i32
    %dma_start3A_18 = tpu.memref_slice %arg6[%dma_start3A_16, %dma_start3A_17] : memref<1000000x64xf32, #tpu.memory_space<hbm>> -> memref<1000000x64xf32, #tpu.memory_space<hbm>>
    tpu.enqueue_indirect_dma source(%dma_start3A_18 : memref<1000000x64xf32, #tpu.memory_space<hbm>>) target(%arg14 : memref<512x64xf32, #tpu.memory_space<vmem>>) offsets(%arg11 : memref<512xi32, #tpu.memory_space<vmem>>) semaphore(%arg17 : memref<!tpu.dma_semaphore, #tpu.memory_space<semaphore_mem>>)
    %dma_wait3A_19 = arith.constant 0 : i32
    %dma_wait3A_20 = arith.constant 0 : i32
    %dma_wait3A_21 = tpu.memref_slice %arg5[%dma_wait3A_19, %dma_wait3A_20] : memref<1000000x64xf32, #tpu.memory_space<hbm>> -> memref<1000000x64xf32, #tpu.memory_space<hbm>>
    tpu.wait_indirect_dma semaphore(%arg16 : memref<!tpu.dma_semaphore, #tpu.memory_space<semaphore_mem>>) src(%dma_wait3A_21 : memref<1000000x64xf32, #tpu.memory_space<hbm>>) dst(%arg13 : memref<512x64xf32, #tpu.memory_space<vmem>>)
    "tpu.region"() ({
      %run_scoped3A = tpu.sem_alloc : memref<!tpu.dma_semaphore, #tpu.memory_space<semaphore_mem>>
      %dma_start3A_63 = arith.constant 0 : i32
      %dma_start3A_64 = tpu.memref_slice %arg7[%multiple_of3A, %dma_start3A_63] : memref<16384x64xf32, #tpu.memory_space<hbm>> -> memref<512x64xf32, #tpu.memory_space<hbm>>
      %dma_start3A_65 = arith.constant 0 : i32
      %dma_start3A_66 = tpu.memref_slice %arg7[%multiple_of3A, %dma_start3A_65] : memref<16384x64xf32, #tpu.memory_space<hbm>> -> memref<512x64xf32, #tpu.memory_space<hbm>>
      tpu.enqueue_dma source(%arg13 : memref<512x64xf32, #tpu.memory_space<vmem>>) target(%dma_start3A_66 : memref<512x64xf32, #tpu.memory_space<hbm>>) target_semaphore(%run_scoped3A : memref<!tpu.dma_semaphore, #tpu.memory_space<semaphore_mem>>)
      %dma_wait3A_67 = arith.constant 0 : i32
      %dma_wait3A_68 = tpu.memref_slice %arg7[%multiple_of3A, %dma_wait3A_67] : memref<16384x64xf32, #tpu.memory_space<hbm>> -> memref<512x64xf32, #tpu.memory_space<hbm>>
      %dma_wait3A_69 = arith.constant 0 : i32
      %dma_wait3A_70 = tpu.memref_slice %arg7[%multiple_of3A, %dma_wait3A_69] : memref<16384x64xf32, #tpu.memory_space<hbm>> -> memref<512x64xf32, #tpu.memory_space<hbm>>
      tpu.wait_dma2 semaphore(%run_scoped3A : memref<!tpu.dma_semaphore, #tpu.memory_space<semaphore_mem>>) src(%arg13 : memref<512x64xf32, #tpu.memory_space<vmem>>) dst(%dma_wait3A_70 : memref<512x64xf32, #tpu.memory_space<hbm>>)
      tpu.yield
    }) : () -> ()
    %dma_wait3A_22 = arith.constant 0 : i32
    %dma_wait3A_23 = tpu.memref_slice %arg4[%dma_wait3A_22, %multiple_of3A] : memref<20x16384xi32, #tpu.memory_space<hbm>> -> memref<20x512xi32, #tpu.memory_space<hbm>>
    %dma_wait3A_24 = arith.constant 0 : i32
    %dma_wait3A_25 = tpu.memref_slice %arg4[%dma_wait3A_24, %multiple_of3A] : memref<20x16384xi32, #tpu.memory_space<hbm>> -> memref<20x512xi32, #tpu.memory_space<hbm>>
    tpu.wait_dma2 semaphore(%arg15 : memref<!tpu.dma_semaphore, #tpu.memory_space<semaphore_mem>>) src(%dma_wait3A_25 : memref<20x512xi32, #tpu.memory_space<hbm>>) dst(%arg12 : memref<20x512xi32, #tpu.memory_space<vmem>>)
    %dma_start3A_26 = arith.constant 0 : i32
    %dma_start3A_27 = arith.constant 0 : i32
    %dma_start3A_28 = tpu.memref_slice %arg12[%dma_start3A_26, %dma_start3A_27] : memref<20x512xi32, #tpu.memory_space<vmem>> -> memref<1x512xi32, #tpu.memory_space<vmem>>
    %dma_start3A_29 = tpu.memref_squeeze %dma_start3A_28 : memref<1x512xi32, #tpu.memory_space<vmem>> -> memref<512xi32, #tpu.memory_space<vmem>>
    %dma_start3A_30 = arith.constant 0 : i32
    %dma_start3A_31 = arith.constant 0 : i32
    %dma_start3A_32 = tpu.memref_slice %arg6[%dma_start3A_30, %dma_start3A_31] : memref<1000000x64xf32, #tpu.memory_space<hbm>> -> memref<1000000x64xf32, #tpu.memory_space<hbm>>
    tpu.enqueue_indirect_dma source(%dma_start3A_32 : memref<1000000x64xf32, #tpu.memory_space<hbm>>) target(%arg13 : memref<512x64xf32, #tpu.memory_space<vmem>>) offsets(%dma_start3A_29 : memref<512xi32, #tpu.memory_space<vmem>>) semaphore(%arg16 : memref<!tpu.dma_semaphore, #tpu.memory_space<semaphore_mem>>)
    %dma_wait3A_33 = arith.constant 0 : i32
    %dma_wait3A_34 = arith.constant 0 : i32
    %dma_wait3A_35 = tpu.memref_slice %arg6[%dma_wait3A_33, %dma_wait3A_34] : memref<1000000x64xf32, #tpu.memory_space<hbm>> -> memref<1000000x64xf32, #tpu.memory_space<hbm>>
    tpu.wait_indirect_dma semaphore(%arg17 : memref<!tpu.dma_semaphore, #tpu.memory_space<semaphore_mem>>) src(%dma_wait3A_35 : memref<1000000x64xf32, #tpu.memory_space<hbm>>) dst(%arg14 : memref<512x64xf32, #tpu.memory_space<vmem>>)
    "tpu.region"() ({
      %run_scoped3A = tpu.sem_alloc : memref<!tpu.dma_semaphore, #tpu.memory_space<semaphore_mem>>
      %dma_start3A_63 = arith.constant 0 : i32
      %dma_start3A_64 = tpu.memref_slice %arg8[%multiple_of3A, %dma_start3A_63] : memref<16384x64xf32, #tpu.memory_space<hbm>> -> memref<512x64xf32, #tpu.memory_space<hbm>>
      %dma_start3A_65 = arith.constant 0 : i32
      %dma_start3A_66 = tpu.memref_slice %arg8[%multiple_of3A, %dma_start3A_65] : memref<16384x64xf32, #tpu.memory_space<hbm>> -> memref<512x64xf32, #tpu.memory_space<hbm>>
      tpu.enqueue_dma source(%arg14 : memref<512x64xf32, #tpu.memory_space<vmem>>) target(%dma_start3A_66 : memref<512x64xf32, #tpu.memory_space<hbm>>) target_semaphore(%run_scoped3A : memref<!tpu.dma_semaphore, #tpu.memory_space<semaphore_mem>>)
      %dma_wait3A_67 = arith.constant 0 : i32
      %dma_wait3A_68 = tpu.memref_slice %arg8[%multiple_of3A, %dma_wait3A_67] : memref<16384x64xf32, #tpu.memory_space<hbm>> -> memref<512x64xf32, #tpu.memory_space<hbm>>
      %dma_wait3A_69 = arith.constant 0 : i32
      %dma_wait3A_70 = tpu.memref_slice %arg8[%multiple_of3A, %dma_wait3A_69] : memref<16384x64xf32, #tpu.memory_space<hbm>> -> memref<512x64xf32, #tpu.memory_space<hbm>>
      tpu.wait_dma2 semaphore(%run_scoped3A : memref<!tpu.dma_semaphore, #tpu.memory_space<semaphore_mem>>) src(%arg14 : memref<512x64xf32, #tpu.memory_space<vmem>>) dst(%dma_wait3A_70 : memref<512x64xf32, #tpu.memory_space<hbm>>)
      tpu.yield
    }) : () -> ()
    %dma_start3A_36 = arith.constant 1 : i32
    %dma_start3A_37 = arith.constant 0 : i32
    %dma_start3A_38 = tpu.memref_slice %arg12[%dma_start3A_36, %dma_start3A_37] : memref<20x512xi32, #tpu.memory_space<vmem>> -> memref<1x512xi32, #tpu.memory_space<vmem>>
    %dma_start3A_39 = tpu.memref_squeeze %dma_start3A_38 : memref<1x512xi32, #tpu.memory_space<vmem>> -> memref<512xi32, #tpu.memory_space<vmem>>
    %dma_start3A_40 = arith.constant 0 : i32
    %dma_start3A_41 = arith.constant 0 : i32
    %dma_start3A_42 = tpu.memref_slice %arg6[%dma_start3A_40, %dma_start3A_41] : memref<1000000x64xf32, #tpu.memory_space<hbm>> -> memref<1000000x64xf32, #tpu.memory_space<hbm>>
    tpu.enqueue_indirect_dma source(%dma_start3A_42 : memref<1000000x64xf32, #tpu.memory_space<hbm>>) target(%arg14 : memref<512x64xf32, #tpu.memory_space<vmem>>) offsets(%dma_start3A_39 : memref<512xi32, #tpu.memory_space<vmem>>) semaphore(%arg17 : memref<!tpu.dma_semaphore, #tpu.memory_space<semaphore_mem>>)
    %scan3A = arith.constant 0 : i32
    %scan3A_43 = arith.constant 9 : i32
    %scan3A_44 = arith.addi %scan3A, %scan3A_43 : i32
    %scan3A_45 = arith.constant 1 : i32
    scf.for %scan3A_63 = %scan3A to %scan3A_44 step %scan3A_45  : i32 {
      %mul3A_64 = arith.constant 2 : i32
      %mul3A_65 = arith.muli %scan3A_63, %mul3A_64 : i32
      %dma_wait3A_66 = arith.constant 0 : i32
      %dma_wait3A_67 = arith.constant 0 : i32
      %dma_wait3A_68 = tpu.memref_slice %arg6[%dma_wait3A_66, %dma_wait3A_67] : memref<1000000x64xf32, #tpu.memory_space<hbm>> -> memref<512x64xf32, #tpu.memory_space<hbm>>
      %dma_wait3A_69 = arith.constant 0 : i32
      %dma_wait3A_70 = arith.constant 0 : i32
      %dma_wait3A_71 = tpu.memref_slice %arg6[%dma_wait3A_69, %dma_wait3A_70] : memref<1000000x64xf32, #tpu.memory_space<hbm>> -> memref<512x64xf32, #tpu.memory_space<hbm>>
      tpu.wait_dma2 semaphore(%arg16 : memref<!tpu.dma_semaphore, #tpu.memory_space<semaphore_mem>>) src(%dma_wait3A_71 : memref<512x64xf32, #tpu.memory_space<hbm>>) dst(%arg13 : memref<512x64xf32, #tpu.memory_space<vmem>>)
      %mul3A_72 = arith.constant 64 : i32
      %mul3A_73 = arith.muli %mul3A_65, %mul3A_72 : i32
      %multiple_of3A_74 = tpu.assume_multiple %mul3A_73, 64 : i32
      "tpu.region"() ({
        %run_scoped3A = tpu.sem_alloc : memref<!tpu.dma_semaphore, #tpu.memory_space<semaphore_mem>>
        %dma_start3A_102 = tpu.memref_slice %arg9[%multiple_of3A, %multiple_of3A_74] : memref<16384x1280xf32, #tpu.memory_space<hbm>> -> memref<512x64xf32, #tpu.memory_space<hbm>>
        %dma_start3A_103 = tpu.memref_slice %arg9[%multiple_of3A, %multiple_of3A_74] : memref<16384x1280xf32, #tpu.memory_space<hbm>> -> memref<512x64xf32, #tpu.memory_space<hbm>>
        tpu.enqueue_dma source(%arg13 : memref<512x64xf32, #tpu.memory_space<vmem>>) target(%dma_start3A_103 : memref<512x64xf32, #tpu.memory_space<hbm>>) target_semaphore(%run_scoped3A : memref<!tpu.dma_semaphore, #tpu.memory_space<semaphore_mem>>)
        %dma_wait3A_104 = tpu.memref_slice %arg9[%multiple_of3A, %multiple_of3A_74] : memref<16384x1280xf32, #tpu.memory_space<hbm>> -> memref<512x64xf32, #tpu.memory_space<hbm>>
        %dma_wait3A_105 = tpu.memref_slice %arg9[%multiple_of3A, %multiple_of3A_74] : memref<16384x1280xf32, #tpu.memory_space<hbm>> -> memref<512x64xf32, #tpu.memory_space<hbm>>
        tpu.wait_dma2 semaphore(%run_scoped3A : memref<!tpu.dma_semaphore, #tpu.memory_space<semaphore_mem>>) src(%arg13 : memref<512x64xf32, #tpu.memory_space<vmem>>) dst(%dma_wait3A_105 : memref<512x64xf32, #tpu.memory_space<hbm>>)
        tpu.yield
      }) : () -> ()
      %add3A_75 = arith.constant 2 : i32
      %add3A_76 = arith.addi %mul3A_65, %add3A_75 : i32
      %dma_start3A_77 = arith.constant 0 : i32
      %dma_start3A_78 = tpu.memref_slice %arg12[%add3A_76, %dma_start3A_77] : memref<20x512xi32, #tpu.memory_space<vmem>> -> memref<1x512xi32, #tpu.memory_space<vmem>>
      %dma_start3A_79 = tpu.memref_squeeze %dma_start3A_78 : memref<1x512xi32, #tpu.memory_space<vmem>> -> memref<512xi32, #tpu.memory_space<vmem>>
      %dma_start3A_80 = arith.constant 0 : i32
      %dma_start3A_81 = arith.constant 0 : i32
      %dma_start3A_82 = tpu.memref_slice %arg6[%dma_start3A_80, %dma_start3A_81] : memref<1000000x64xf32, #tpu.memory_space<hbm>> -> memref<1000000x64xf32, #tpu.memory_space<hbm>>
      tpu.enqueue_indirect_dma source(%dma_start3A_82 : memref<1000000x64xf32, #tpu.memory_space<hbm>>) target(%arg13 : memref<512x64xf32, #tpu.memory_space<vmem>>) offsets(%dma_start3A_79 : memref<512xi32, #tpu.memory_space<vmem>>) semaphore(%arg16 : memref<!tpu.dma_semaphore, #tpu.memory_space<semaphore_mem>>)
      %dma_wait3A_83 = arith.constant 0 : i32
      %dma_wait3A_84 = arith.constant 0 : i32
      %dma_wait3A_85 = tpu.memref_slice %arg6[%dma_wait3A_83, %dma_wait3A_84] : memref<1000000x64xf32, #tpu.memory_space<hbm>> -> memref<512x64xf32, #tpu.memory_space<hbm>>
      %dma_wait3A_86 = arith.constant 0 : i32
      %dma_wait3A_87 = arith.constant 0 : i32
      %dma_wait3A_88 = tpu.memref_slice %arg6[%dma_wait3A_86, %dma_wait3A_87] : memref<1000000x64xf32, #tpu.memory_space<hbm>> -> memref<512x64xf32, #tpu.memory_space<hbm>>
      tpu.wait_dma2 semaphore(%arg17 : memref<!tpu.dma_semaphore, #tpu.memory_space<semaphore_mem>>) src(%dma_wait3A_88 : memref<512x64xf32, #tpu.memory_space<hbm>>) dst(%arg14 : memref<512x64xf32, #tpu.memory_space<vmem>>)
      %add3A_89 = arith.constant 1 : i32
      %add3A_90 = arith.addi %mul3A_65, %add3A_89 : i32
      %mul3A_91 = arith.constant 64 : i32
      %mul3A_92 = arith.muli %add3A_90, %mul3A_91 : i32
      %multiple_of3A_93 = tpu.assume_multiple %mul3A_92, 64 : i32
      "tpu.region"() ({
        %run_scoped3A = tpu.sem_alloc : memref<!tpu.dma_semaphore, #tpu.memory_space<semaphore_mem>>
        %dma_start3A_102 = tpu.memref_slice %arg9[%multiple_of3A, %multiple_of3A_93] : memref<16384x1280xf32, #tpu.memory_space<hbm>> -> memref<512x64xf32, #tpu.memory_space<hbm>>
        %dma_start3A_103 = tpu.memref_slice %arg9[%multiple_of3A, %multiple_of3A_93] : memref<16384x1280xf32, #tpu.memory_space<hbm>> -> memref<512x64xf32, #tpu.memory_space<hbm>>
        tpu.enqueue_dma source(%arg14 : memref<512x64xf32, #tpu.memory_space<vmem>>) target(%dma_start3A_103 : memref<512x64xf32, #tpu.memory_space<hbm>>) target_semaphore(%run_scoped3A : memref<!tpu.dma_semaphore, #tpu.memory_space<semaphore_mem>>)
        %dma_wait3A_104 = tpu.memref_slice %arg9[%multiple_of3A, %multiple_of3A_93] : memref<16384x1280xf32, #tpu.memory_space<hbm>> -> memref<512x64xf32, #tpu.memory_space<hbm>>
        %dma_wait3A_105 = tpu.memref_slice %arg9[%multiple_of3A, %multiple_of3A_93] : memref<16384x1280xf32, #tpu.memory_space<hbm>> -> memref<512x64xf32, #tpu.memory_space<hbm>>
        tpu.wait_dma2 semaphore(%run_scoped3A : memref<!tpu.dma_semaphore, #tpu.memory_space<semaphore_mem>>) src(%arg14 : memref<512x64xf32, #tpu.memory_space<vmem>>) dst(%dma_wait3A_105 : memref<512x64xf32, #tpu.memory_space<hbm>>)
        tpu.yield
      }) : () -> ()
      %add3A_94 = arith.constant 3 : i32
      %add3A_95 = arith.addi %mul3A_65, %add3A_94 : i32
      %dma_start3A_96 = arith.constant 0 : i32
      %dma_start3A_97 = tpu.memref_slice %arg12[%add3A_95, %dma_start3A_96] : memref<20x512xi32, #tpu.memory_space<vmem>> -> memref<1x512xi32, #tpu.memory_space<vmem>>
      %dma_start3A_98 = tpu.memref_squeeze %dma_start3A_97 : memref<1x512xi32, #tpu.memory_space<vmem>> -> memref<512xi32, #tpu.memory_space<vmem>>
      %dma_start3A_99 = arith.constant 0 : i32
      %dma_start3A_100 = arith.constant 0 : i32
      %dma_start3A_101 = tpu.memref_slice %arg6[%dma_start3A_99, %dma_start3A_100] : memref<1000000x64xf32, #tpu.memory_space<hbm>> -> memref<1000000x64xf32, #tpu.memory_space<hbm>>
      tpu.enqueue_indirect_dma source(%dma_start3A_101 : memref<1000000x64xf32, #tpu.memory_space<hbm>>) target(%arg14 : memref<512x64xf32, #tpu.memory_space<vmem>>) offsets(%dma_start3A_98 : memref<512xi32, #tpu.memory_space<vmem>>) semaphore(%arg17 : memref<!tpu.dma_semaphore, #tpu.memory_space<semaphore_mem>>)
    }
    %scan3A_46 = arith.constant 9 : i32
    %dma_wait3A_47 = arith.constant 0 : i32
    %dma_wait3A_48 = arith.constant 0 : i32
    %dma_wait3A_49 = tpu.memref_slice %arg6[%dma_wait3A_47, %dma_wait3A_48] : memref<1000000x64xf32, #tpu.memory_space<hbm>> -> memref<512x64xf32, #tpu.memory_space<hbm>>
    %dma_wait3A_50 = arith.constant 0 : i32
    %dma_wait3A_51 = arith.constant 0 : i32
    %dma_wait3A_52 = tpu.memref_slice %arg6[%dma_wait3A_50, %dma_wait3A_51] : memref<1000000x64xf32, #tpu.memory_space<hbm>> -> memref<512x64xf32, #tpu.memory_space<hbm>>
    tpu.wait_dma2 semaphore(%arg16 : memref<!tpu.dma_semaphore, #tpu.memory_space<semaphore_mem>>) src(%dma_wait3A_52 : memref<512x64xf32, #tpu.memory_space<hbm>>) dst(%arg13 : memref<512x64xf32, #tpu.memory_space<vmem>>)
    %multiple_of3A_53 = arith.constant 1152 : i32
    %multiple_of3A_54 = tpu.assume_multiple %multiple_of3A_53, 64 : i32
    "tpu.region"() ({
      %run_scoped3A = tpu.sem_alloc : memref<!tpu.dma_semaphore, #tpu.memory_space<semaphore_mem>>
      %dma_start3A_63 = tpu.memref_slice %arg9[%multiple_of3A, %multiple_of3A_54] : memref<16384x1280xf32, #tpu.memory_space<hbm>> -> memref<512x64xf32, #tpu.memory_space<hbm>>
      %dma_start3A_64 = tpu.memref_slice %arg9[%multiple_of3A, %multiple_of3A_54] : memref<16384x1280xf32, #tpu.memory_space<hbm>> -> memref<512x64xf32, #tpu.memory_space<hbm>>
      tpu.enqueue_dma source(%arg13 : memref<512x64xf32, #tpu.memory_space<vmem>>) target(%dma_start3A_64 : memref<512x64xf32, #tpu.memory_space<hbm>>) target_semaphore(%run_scoped3A : memref<!tpu.dma_semaphore, #tpu.memory_space<semaphore_mem>>)
      %dma_wait3A_65 = tpu.memref_slice %arg9[%multiple_of3A, %multiple_of3A_54] : memref<16384x1280xf32, #tpu.memory_space<hbm>> -> memref<512x64xf32, #tpu.memory_space<hbm>>
      %dma_wait3A_66 = tpu.memref_slice %arg9[%multiple_of3A, %multiple_of3A_54] : memref<16384x1280xf32, #tpu.memory_space<hbm>> -> memref<512x64xf32, #tpu.memory_space<hbm>>
      tpu.wait_dma2 semaphore(%run_scoped3A : memref<!tpu.dma_semaphore, #tpu.memory_space<semaphore_mem>>) src(%arg13 : memref<512x64xf32, #tpu.memory_space<vmem>>) dst(%dma_wait3A_66 : memref<512x64xf32, #tpu.memory_space<hbm>>)
      tpu.yield
    }) : () -> ()
    %dma_wait3A_55 = arith.constant 0 : i32
    %dma_wait3A_56 = arith.constant 0 : i32
    %dma_wait3A_57 = tpu.memref_slice %arg6[%dma_wait3A_55, %dma_wait3A_56] : memref<1000000x64xf32, #tpu.memory_space<hbm>> -> memref<512x64xf32, #tpu.memory_space<hbm>>
    %dma_wait3A_58 = arith.constant 0 : i32
    %dma_wait3A_59 = arith.constant 0 : i32
    %dma_wait3A_60 = tpu.memref_slice %arg6[%dma_wait3A_58, %dma_wait3A_59] : memref<1000000x64xf32, #tpu.memory_space<hbm>> -> memref<512x64xf32, #tpu.memory_space<hbm>>
    tpu.wait_dma2 semaphore(%arg17 : memref<!tpu.dma_semaphore, #tpu.memory_space<semaphore_mem>>) src(%dma_wait3A_60 : memref<512x64xf32, #tpu.memory_space<hbm>>) dst(%arg14 : memref<512x64xf32, #tpu.memory_space<vmem>>)
    %multiple_of3A_61 = arith.constant 1216 : i32
    %multiple_of3A_62 = tpu.assume_multiple %multiple_of3A_61, 64 : i32
    "tpu.region"() ({
      %run_scoped3A = tpu.sem_alloc : memref<!tpu.dma_semaphore, #tpu.memory_space<semaphore_mem>>
      %dma_start3A_63 = tpu.memref_slice %arg9[%multiple_of3A, %multiple_of3A_62] : memref<16384x1280xf32, #tpu.memory_space<hbm>> -> memref<512x64xf32, #tpu.memory_space<hbm>>
      %dma_start3A_64 = tpu.memref_slice %arg9[%multiple_of3A, %multiple_of3A_62] : memref<16384x1280xf32, #tpu.memory_space<hbm>> -> memref<512x64xf32, #tpu.memory_space<hbm>>
      tpu.enqueue_dma source(%arg14 : memref<512x64xf32, #tpu.memory_space<vmem>>) target(%dma_start3A_64 : memref<512x64xf32, #tpu.memory_space<hbm>>) target_semaphore(%run_scoped3A : memref<!tpu.dma_semaphore, #tpu.memory_space<semaphore_mem>>)
      %dma_wait3A_65 = tpu.memref_slice %arg9[%multiple_of3A, %multiple_of3A_62] : memref<16384x1280xf32, #tpu.memory_space<hbm>> -> memref<512x64xf32, #tpu.memory_space<hbm>>
      %dma_wait3A_66 = tpu.memref_slice %arg9[%multiple_of3A, %multiple_of3A_62] : memref<16384x1280xf32, #tpu.memory_space<hbm>> -> memref<512x64xf32, #tpu.memory_space<hbm>>
      tpu.wait_dma2 semaphore(%run_scoped3A : memref<!tpu.dma_semaphore, #tpu.memory_space<semaphore_mem>>) src(%arg14 : memref<512x64xf32, #tpu.memory_space<vmem>>) dst(%dma_wait3A_66 : memref<512x64xf32, #tpu.memory_space<hbm>>)
      tpu.yield
    }) : () -> ()
    return
  }
}

</mosaic_0001>

<sc_bundles>
// kernel: kernel.3.cloned.1.call-start
scs
__scs_entry_jumppad:
0x0: {  	(pc) =	sbr.rel $0x88, $3  }
0x1: {  	(tag) =	ssettag $0x0;
	lr =	simm.s32 $0x1  }
0x2: {  	[smem:$0x3F9C] =	sst lr;
	_ =	strace $0xD0000000  }
0x3: {  	_ = 	snop  }
0x4: {  	_ = 	snop  }
0x5: {  	_ = 	snop  }
0x6: {  	_ = 	snop  }
0x7: {  	_ = 	snop  }
__scs_overlays_trampoline_lowered:
0x8: {  	[smem:$0x3FAB] =	sst s0  }
0x9: {  	[smem:$0x3FAC] =	sst s1  }
0xa: {  	[smem:$0x3FAD] =	sst s2  }
0xb: {  	[smem:$0x3FAE] =	sst s3  }
0xc: {  	[smem:$0x3FAF] =	sst s4  }
0xd: {  	[smem:$0x3FB0] =	sst s5  }
0xe: {  	[smem:$0x3FB1] =	sst s6  }
0xf: {  	[smem:$0x3FB2] =	sst s7  }
0x10: {  	[smem:$0x3FB3] =	sst s8  }
0x11: {  	[smem:$0x3FB4] =	sst s9;
	s0 =	simm.s32 @!p0 $0x0  }
0x12: {  	s1 =	sld [smem:$0x3F9A];
	s0 =	simm.s32 @p0 $0x1  }
0x13: {  	[smem:$0x3FB5] =	sst s0;
	s0 =	simm.s32 @!p1 $0x0  }
0x14: {  	s2 =	sld [smem:$0x3F99];
	s0 =	simm.s32 @p1 $0x1  }
0x15: {  	[smem:$0x3FB6] =	sst s0;
	s0 =	simm.s32 @!p2 $0x0  }
0x16: {  	s3 =	sld [smem:$0x3FDB];
	s0 =	simm.s32 @p2 $0x1  }
0x17: {  	s4 =	simm.s32 $0x1BF5;
	[smem:$0x3FB8] =	sst s0  }
0x18: {  	s0 =	sld [smem:$0x3F9B];
	_ =	swait.ge [sflag:s4], $0x0  }
0x19: {  	s7 =	sld [smem:$0x3F9C]  }
0x1a: {  	s8 =	sadd.s32 $0xFFFFE003, lr  }
0x1b: {  	s9 =	sadd.s32 $0xFFFFFEF7, lr;
	s5 =	simm.s32 $0xFFFFFFFF;
	p2 =	slt.u32 s8, $0xFFFFF086  }
0x1c: {  	p1 =	slt.u32 s9, $0xF7A;
	s5 =	simm.s32 @!p2 $0x0  }
0x1d: {  	s5 =	simm.s32 @p1 $0x1;
	p0 =	seq.s32 s7, s2  }
0x1e: {  	s7 =	smul.u32 @!p0 $0xF7A, s2;
	p2 =	seq.s32 @!p0 s5, $0x0  }
0x1f: {  	s9 =	smul.u32 $0xF7A, s1;
	s8 =	simm.s32 @!p0 $0x1BF5;
	p2 =	por !p2, p0  }
0x20: {  	[sflag:s8] =	ssyncset.s32 @!p0 $0xFFFFF086;
	s6 =	sadd.s32 @!p0 s3, s7;
	s7 =	simm.s32 @!p0 $0x108  }
0x21: {  	s3 =	sadd.s32 s3, s9;
	s6 =	sadd.s32 @!p0 $0x88, s6;
	s7 =	simm.s32 @p2 $0x1082  }
0x22: {  	[simem:s7], [sflag:s8] =	dma.local @!p0 [hbm:s6], $0xF7A  }
0x23: {  	s9 =	sor.u32 $0xD0000000, s2;
	s6 =	simm.s32 $0x108;
	_ =	swait.ge @!p0 [sflag:s8], $0x0  }
0x24: {  	s3 =	sadd.s32 $0x88, s3;
	s6 =	simm.s32 @!p1 $0x1082;
	[sflag:s4] =	ssyncset.s32 $0xFFFFF086  }
0x25: {  	[simem:s6], [sflag:s4] =	dma.local [hbm:s3], $0xF7A  }
0x26: {  	[smem:$0x3F9C] =	sst s1;
	(tag) =	ssettag s2;
	_ =	strace s9  }
0x27: {  	s1 =	sld [smem:$0x3FAC]  }
0x28: {  	s2 =	sld [smem:$0x3FAD]  }
0x29: {  	s4 =	sld [smem:$0x3FAF]  }
0x2a: {  	p0 =	seq.s32 s5, $0x0;
	s5 =	sld [smem:$0x3FB0]  }
0x2b: {  	s6 =	sld [smem:$0x3FB1]  }
0x2c: {  	s7 =	sld [smem:$0x3FB2]  }
0x2d: {  	s3 =	simm.s32 $0x108;
	s8 =	sld [smem:$0x3FB3]  }
0x2e: {  	s3 =	simm.s32 @!p0 $0x1082;
	s9 =	sld [smem:$0x3FB4]  }
0x2f: {  	lr =	sadd.s32 s0, s3;
	s0 =	sld [smem:$0x3FAB]  }
0x30: {  	s3 =	sld [smem:$0x3FAE]  }
0x31: {  	[smem:$0x3FB7] =	sst s10  }
0x32: {  	s10 =	sld [smem:$0x3FB5];
	_ =	sdelay $0x3  }
0x33: {  	p0 =	seq.s32 s10, $0x1;
	s10 =	sld [smem:$0x3FB7];
	_ =	sdelay $0x3  }
0x34: {  	[smem:$0x3FB7] =	sst s10  }
0x35: {  	s10 =	sld [smem:$0x3FB6];
	_ =	sdelay $0x3  }
0x36: {  	p1 =	seq.s32 s10, $0x1;
	s10 =	sld [smem:$0x3FB7];
	_ =	sdelay $0x3  }
0x37: {  	[smem:$0x3FB7] =	sst s10  }
0x38: {  	s10 =	sld [smem:$0x3FB8]  }
0x39: {  	_ = 	snop;
	(pc) =	sbr.ind lr, $3  }
0x3a: {  	_ = 	snop  }
0x3b: {  	_ = 	snop  }
0x3c: {  	p2 =	seq.s32 s10, $0x1;
	s10 =	sld [smem:$0x3FB7]  }
0x3d: {  	_ =	shalt  }
0x3e: {  	_ =	shalt  }
0x3f: {  	_ =	shalt  }
0x40: {  	_ =	shalt  }
0x41: {  	_ =	shalt  }
0x42: {  	_ =	shalt  }
0x43: {  	_ =	shalt  }
0x44: {  	_ =	shalt  }
0x45: {  	_ =	shalt  }
0x46: {  	_ =	shalt  }
0x47: {  	_ =	shalt  }
0x48: {  	_ =	shalt  }
0x49: {  	_ =	shalt  }
0x4a: {  	_ =	shalt  }
0x4b: {  	_ =	shalt  }
0x4c: {  	_ =	shalt  }
0x4d: {  	_ =	shalt  }
0x4e: {  	_ =	shalt  }
0x4f: {  	_ =	shalt  }
0x50: {  	_ =	shalt  }
0x51: {  	_ =	shalt  }
0x52: {  	_ =	shalt  }
0x53: {  	_ =	shalt  }
0x54: {  	_ =	shalt  }
0x55: {  	_ =	shalt  }
0x56: {  	_ =	shalt  }
0x57: {  	_ =	shalt  }
0x58: {  	_ =	shalt  }
0x59: {  	_ =	shalt  }
0x5a: {  	_ =	shalt  }
0x5b: {  	_ =	shalt  }
0x5c: {  	_ =	shalt  }
0x5d: {  	_ =	shalt  }
0x5e: {  	_ =	shalt  }
0x5f: {  	_ =	shalt  }
0x60: {  	_ =	shalt  }
0x61: {  	_ =	shalt  }
0x62: {  	_ =	shalt  }
0x63: {  	_ =	shalt  }
0x64: {  	_ =	shalt  }
0x65: {  	_ =	shalt  }
0x66: {  	_ =	shalt  }
0x67: {  	_ =	shalt  }
0x68: {  	_ =	shalt  }
0x69: {  	_ =	shalt  }
0x6a: {  	_ =	shalt  }
0x6b: {  	_ =	shalt  }
0x6c: {  	_ =	shalt  }
0x6d: {  	_ =	shalt  }
0x6e: {  	_ =	shalt  }
0x6f: {  	_ =	shalt  }
0x70: {  	_ =	shalt  }
0x71: {  	_ =	shalt  }
0x72: {  	_ =	shalt  }
0x73: {  	_ =	shalt  }
0x74: {  	_ =	shalt  }
0x75: {  	_ =	shalt  }
0x76: {  	_ =	shalt  }
0x77: {  	_ =	shalt  }
0x78: {  	_ =	shalt  }
0x79: {  	_ =	shalt  }
0x7a: {  	_ =	shalt  }
0x7b: {  	_ =	shalt  }
0x7c: {  	_ =	shalt  }
0x7d: {  	_ =	shalt  }
0x7e: {  	_ =	shalt  }
0x7f: {  	_ =	shalt  }
0x80: {  	_ =	shalt  }
0x81: {  	_ =	shalt  }
0x82: {  	_ =	shalt  }
0x83: {  	_ =	shalt  }
0x84: {  	_ =	shalt  }
0x85: {  	_ =	shalt  }
0x86: {  	_ =	shalt  }
0x87: {  	_ =	shalt  }
.Lfunc_end0:
.L_simem_size_0:
called_computation.1_lowered:
.L_overlay_start_0:
0x88: {  	s2 =	sld [smem:$0x3FD9]  }
0x89: {  	s3 =	sld [smem:$0x3FFE];
	_ =	sdelay $0x1  }
0x8a: {  	s1 =	srdreg.scid  }
0x8b: {  	s0 =	sand.u32 $0x1, s1  }
0x8c: {  	s14 =	sshll.u32 s0, $0xA;
	s2 =	sadd.s32 s3, s2  }
0x8d: {  	s2 =	sadd.s32 s2, s14  }
0x8e: {  	[smem:$0x3FC3] =	sst s2  }
0x8f: {  	_ = 	snop  }
0x90: {  	s2 =	sld [smem:$0x3FD0];
	_ =	sdelay $0x1  }
0x91: {  	s15 =	sld [smem:$0x3FC9]  }
0x92: {  	s5 =	simm.s32 $0xA;
	s6 =	simm.s32 $0x10;
	s4 =	sld [smem:$0x3FC8]  }
0x93: {  	[smem:s6], [sflag:s5] =	dma.local [hbm:s2], $0x1  }
0x94: {  	_ =	swait.eq [sflag:s5], $0x1  }
0x95: {  	s16 =	sld [smem:$0x10];
	[sflag:s5] =	ssyncset.done $0x0  }
0x96: {  	s17 =	sld [smem:$0x11];
	[sflag:s5] =	ssyncadd.s32 $0xFFFFFFFF  }
0x97: {  	s18 =	sld [smem:$0x12];
	(tm) =	ssettm $0x1  }
0x98: {  	s7 =	sld [smem:$0x3FFB];
	_ =	sdelay $0x3  }
0x99: {  	_ =	strace s7  }
0x9a: {  	s7 =	sld [smem:$0x3FFC];
	_ =	sdelay $0x3  }
0x9b: {  	_ =	strace s7  }
0x9c: {  	s7 =	sld [smem:$0x3FFD];
	_ =	sdelay $0x3  }
0x9d: {  	_ =	strace s7  }
0x9e: {  	_ =	strace $0x8FFFFFFF  }
0x9f: {  	s19 =	sld [smem:$0x3FDB];
	_ =	sdelay $0x1  }
0xa0: {  	s8 =	simm.s32 $_scs_section_size  }
0xa1: {  	s9 =	simm.s32 $_size__tile_overlayer_lowered;
	s10 =	simm.s32 $_tile_overlayer_lowered  }
0xa2: {  	s22 =	simm.s32 $0x1BFF;
	s21 =	sshll.u32 s10, $0x1;
	s7 =	sadd.s32 s8, s19  }
0xa3: {  	s11 =	simm.s32 $0x0;
	s20 =	sshll.u32 s9, $0x1;
	s9 =	sadd.s32 s21, s7  }
0xa4: {  	[timem:s11], [sflag:s22] =	dma.local [hbm:s9], s20  }
0xa5: {  	_ =	swait.ge [sflag:s22], s20  }
0xa6: {  	s8 =	ssub.s32 $0x0, s20;
	[sflag:s22] =	ssyncset.done $0x0  }
0xa7: {  	[sflag:s22] =	ssyncadd.s32 s8;
	_ =	sdelay $0x1  }
0xa8: {  	s23 =	simm.s32 $0x1B8B  }
0xa9: {  	_ =	swait.ge [sflag:s23], $0x1  }
0xaa: {  	[sflag:s23] =	ssyncset.done $0x0  }
0xab: {  	s25 =	simm.s32 $0x1B8E;
	s24 =	sld [smem:$0x3FFE];
	[sflag:s23] =	ssyncadd.s32 $0xFFFFFFFF  }
0xac: {  	s26 =	simm.s32 $execute0_lowered;
	[smem:$0x3FD2] =	sst s25  }
0xad: {  	s9 =	sshll.u32 s26, $0x1;
	_ =	strace $0x80000046;
	[dreg:$0x1] =	wrdreg $0xFFFFFFFF  }
0xae: {  	s28 =	simm.s32 $_size_execute0_lowered;
	s7 =	sadd.s32 s7, s9;
	[dreg:$0x0] =	wrdreg $0x0  }
0xaf: {  	s9 =	sshll.u32 s28, $0x1;
	[dreg:$0x2] =	wrdreg s7  }
0xb0: {  	[dreg:$0x3] =	wrdreg s9  }
0xb1: {  	[dreg:$0x4] =	wrdreg $0xC0  }
0xb2: {  	_ =	task [dreg:s11], $0x5FFFF  }
0xb3: {  	[dreg:$0x1] =	wrdreg $0xFFFFFFFF  }
0xb4: {  	[dreg:$0x0] =	wrdreg $0x60  }
0xb5: {  	[dreg:$0x2] =	wrdreg s15  }
0xb6: {  	[dreg:$0x3] =	wrdreg s4  }
0xb7: {  	[dreg:$0x4] =	wrdreg s16  }
0xb8: {  	[dreg:$0x5] =	wrdreg s24  }
0xb9: {  	[dreg:$0x6] =	wrdreg s17  }
0xba: {  	[dreg:$0x7] =	wrdreg s18  }
0xbb: {  	[dreg:$0x8] =	wrdreg $0x9  }
0xbc: {  	_ =	task.clear_ibuf [dreg:s11], $0x9FFFF;
	_ =	strace $0x90000046  }
0xbd: {  	s29 =	simm.s32 $0x9;
	_ =	strace $0x80000048  }
0xbe: {  	_ =	swait.ge [sflag:s29], $0x1  }
0xbf: {  	[sflag:s29] =	ssyncadd.s32 $0xFFFFFFFF  }
0xc0: {  	_ =	strace $0x90000048  }
0xc1: {  	_ =	sfence  }
0xc2: {  	s30 =	sld [smem:$0x0];
	_ =	sdelay $0x2  }
0xc3: {  	s31 =	sshll.u32 s1, $0xD;
	s1 =	sshrl.u32 s1, $0x2  }
0xc4: {  	s3 =	sand.u32 $0x4000, s31;
	s1 =	sadd.s32 s1, s30  }
0xc5: {  	s0 =	sor.u32 s3, s0;
	s1 =	sshll.u32 s1, $0x11  }
0xc6: {  	s0 =	sor.u32 s1, s0  }
0xc7: {  	s0 =	sadd.s32 $0x8F2B, s0  }
0xc8: {  	[sflag:s0] =	ssyncadd.remote.s32 $0x1  }
0xc9: {  	_ =	sfence.sel $0xFFFF  }
0xca: {  	[dreg:$0x0] =	wrdreg $0xFFFFFFFF;
	(pc) =	sbr.abs _section_cstart, $3  }
0xcb: {  	[dreg:$0x1] =	wrdreg $0xFFFFFFFF  }
0xcc: {  	_ =	task.clear_ibuf [dreg:s11], $0x2FFFF;
	_ =	strace $0x9FFFFFFF  }
0xcd: {  	(tm) =	ssettm $0x7FFFFFFF  }
tec
execute0_lowered:
.L_overlay_start_1:
0x0: {  	(tag) =	ssettag $0x1  }
0x1: {  	s5 =	rddreg [dreg:$0x0]  }
0x2: {  	s6 =	rddreg [dreg:$0x1]  }
0x3: {  	s7 =	rddreg [dreg:$0x2]  }
0x4: {  	s8 =	rddreg [dreg:$0x3]  }
0x5: {  	s9 =	rddreg [dreg:$0x4]  }
0x6: {  	s14 =	rddreg [dreg:$0x5]  }
0x7: {  	s3 =	srdreg.scid;
	s2 =	simm.s32 $0x0;
	s0 =	stileid.u32  }
0x8: {  	s18 =	simm.s32 $0x1;
	s19 =	simm.s32 $0x2C00;
	s20 =	simm.s32 $0xAC00  }
0x9: {  	s21 =	simm.s32 $0x2;
	s22 =	simm.s32 $0x4;
	s23 =	simm.s32 $0x3  }
0xa: {  	s28 =	simm.s32 $0x0;
	s10 =	sand.u32 $0x1, s3;
	[smem:$0x7FF] =	sst s2  }
0xb: {  	s24 =	sshll.u32 s0, $0xA;
	s3 =	sadd.s32 $0x16E4800, s8;
	s17 =	smul.u32 $0x140000, s0  }
0xc: {  	s4 =	sshll.u32 s10, $0x9;
	_ =	strace $0x80000047;
	s25 =	ssub.s32 $0x2, s10  }
0xd: {  	s10 =	smul.u32 $0xA0000, s10;
	s11 =	sor.u32 s4, s24;
	s4 =	sadd.s32 $0xF43600, s8  }
0xe: {  	s16 =	sshrl.u32 s25, $0x1;
	s24 =	simm.s32 $0x600;
	s12 =	sshll.u32 s11, $0x3  }
0xf: {  	s15 =	smul.u32 $0xA0, s11;
	s11 =	sshrl.u32 s11, $0x3;
	s16 =	ssub.s32 s25, s16  }
0x10: {  	s29 =	sadd.s32 s10, s17;
	s17 =	simm.s32 $0x400;
	s25 =	simm.s32 $0x40  }
0x11: {  	s13 =	sadd.s32 s12, s8;
	s5 =	sadd.s32 s5, s11;
	s6 =	sadd.s32 s6, s11  }
0x12: {  	s7 =	sadd.s32 s7, s11;
	s8 =	sadd.s32 s9, s12;
	s30 =	sor.u32 $0x40, s29  }
0x13: {  	s12 =	smax.u32 s16, $0x1;
	s31 =	sshrl.u32 s29, $0x3;
	s16 =	simm.s32 $0x4000  }
0x14: {  	s9 =	sadd.s32 $0x1200, s13;
	s26 =	sadd.s32 s15, s14;
	s15 =	sshrl.u32 s30, $0x3  }
0x15: {  	s10 =	sadd.s32 $0x90, s26;
	s11 =	sadd.s32 $0x98, s26;
	s13 =	sadd.s32 s15, s14  }
0x16: {  	s14 =	sadd.s32 s31, s14;
	s15 =	simm.s32 $0x200;
	s26 =	simm.s32 $0x500  }
.LBB2_1:
0x17: {  	[tilespmem:s2], [sflag:$0x1] =	stream.linear.gather [hbm4b:s5+s2], $0x200, $0x38;
	[tilespmem:$0x12C00] =	vst v63  }
0x18: {  	_ = 	snop  }
0x19: {  	[tilespmem:s15], [sflag:$0x1] =	stream.linear.gather [hbm4b:s6+s2], $0x200, $0x38;
	[tilespmem:$0x12C00] =	vst v63  }
0x1a: {  	_ = 	snop  }
0x1b: {  	[tilespmem:s17], [sflag:$0x1] =	stream.strided.gather [hbm4b:s7+s15], $0x2800, s16, s15, $0x38;
	[tilespmem:$0x12C00] =	vst v63  }
0x1c: {  	_ =	swait.ge [sflag:s18], $0x200  }
0x1d: {  	[sflag:s18] =	ssyncset.done $0x0  }
0x1e: {  	[sflag:s18] =	ssyncadd.s32 $0xFFFFFE00  }
0x1f: {  	[tilespmem:s19], [sflag:$0x2] =	stream.indirect.gather [hbm4b:s3+s15], $0x40, s2, s15, $0xb8;
	[tilespmem:$0x12C00] =	vst v63  }
0x20: {  	_ =	swait.ge [sflag:s18], $0x200  }
0x21: {  	[sflag:s18] =	ssyncset.done $0x0  }
0x22: {  	[sflag:s18] =	ssyncadd.s32 $0xFFFFFE00  }
0x23: {  	[tilespmem:s20], [sflag:$0x3] =	stream.indirect.gather [hbm4b:s4+s15], $0x40, s15, s15, $0xb8;
	[tilespmem:$0x12C00] =	vst v63  }
0x24: {  	_ =	swait.ge [sflag:s21], $0x8000  }
0x25: {  	[sflag:s21] =	ssyncset.done $0x0  }
0x26: {  	[sflag:s21] =	ssyncadd.s32 $0xFFFF8000  }
0x27: {  	[hbm4b:s8+s2] =	stream.linear.scatter [tilespmem:s19], [sflag:$0x4], $0x8000, $0x38;
	[tilespmem:$0x12C00] =	vst v63  }
0x28: {  	_ =	swait.ge [sflag:s22], $0x8000  }
0x29: {  	[sflag:s22] =	ssyncset.done $0x0  }
0x2a: {  	[sflag:s22] =	ssyncadd.s32 $0xFFFF8000  }
0x2b: {  	_ =	swait.ge [sflag:s18], $0x2800  }
0x2c: {  	[sflag:s18] =	ssyncset.done $0x0  }
0x2d: {  	[sflag:s18] =	ssyncadd.s32 $0xFFFFD800  }
0x2e: {  	[tilespmem:s19], [sflag:$0x2] =	stream.indirect.gather [hbm4b:s4+s15], $0x40, s17, s15, $0xb8;
	[tilespmem:$0x12C00] =	vst v63  }
0x2f: {  	_ =	swait.ge [sflag:s23], $0x8000  }
0x30: {  	[sflag:s23] =	ssyncset.done $0x0  }
0x31: {  	[sflag:s23] =	ssyncadd.s32 $0xFFFF8000  }
0x32: {  	[hbm4b:s9+s2] =	stream.linear.scatter [tilespmem:s20], [sflag:$0x4], $0x8000, $0x38;
	[tilespmem:$0x12C00] =	vst v63  }
0x33: {  	_ =	swait.ge [sflag:s22], $0x8000  }
0x34: {  	[sflag:s22] =	ssyncset.done $0x0  }
0x35: {  	[sflag:s22] =	ssyncadd.s32 $0xFFFF8000  }
0x36: {  	[tilespmem:s20], [sflag:$0x3] =	stream.indirect.gather [hbm4b:s4+s15], $0x40, s24, s15, $0xb8;
	[tilespmem:$0x12C00] =	vst v63  }
0x37: {  	_ =	swait.ge [sflag:s21], $0x8000  }
0x38: {  	[sflag:s21] =	ssyncset.done $0x0  }
0x39: {  	s29 =	sadd.s32 $0x0, s14;
	[sflag:s21] =	ssyncadd.s32 $0xFFFF8000  }
0x3a: {  	[hbm4b:s29+s25] =	stream.strided.scatter [tilespmem:s19], [sflag:$0x4], $0x8000, s26, s25, $0x38;
	[tilespmem:$0x12C00] =	vst v63  }
0x3b: {  	_ =	swait.ge [sflag:s22], $0x8000  }
0x3c: {  	[sflag:s22] =	ssyncset.done $0x0  }
0x3d: {  	s29 =	simm.s32 $0x800;
	[sflag:s22] =	ssyncadd.s32 $0xFFFF8000  }
0x3e: {  	[tilespmem:s19], [sflag:$0x2] =	stream.indirect.gather [hbm4b:s4+s15], $0x40, s29, s15, $0xb8;
	[tilespmem:$0x12C00] =	vst v63  }
0x3f: {  	_ =	swait.ge [sflag:s23], $0x8000  }
0x40: {  	[sflag:s23] =	ssyncset.done $0x0  }
0x41: {  	s29 =	sadd.s32 $0x0, s13;
	[sflag:s23] =	ssyncadd.s32 $0xFFFF8000  }
0x42: {  	[hbm4b:s29+s25] =	stream.strided.scatter [tilespmem:s20], [sflag:$0x4], $0x8000, s26, s25, $0x38;
	[tilespmem:$0x12C00] =	vst v63  }
0x43: {  	_ =	swait.ge [sflag:s22], $0x8000  }
0x44: {  	s30 =	simm.s32 $0x10;
	[sflag:s22] =	ssyncset.done $0x0  }
0x45: {  	s31 =	simm.s32 $0xE00;
	s29 =	simm.s32 $0xA00;
	[sflag:s22] =	ssyncadd.s32 $0xFFFF8000  }
.LBB2_2:
0x46: {  	[tilespmem:s20], [sflag:$0x3] =	stream.indirect.gather [hbm4b:s4+s15], $0x40, s29, s15, $0xb8;
	[tilespmem:$0x12C00] =	vst v63  }
0x47: {  	s0 =	smov.u32 s30;
	s29 =	smov.u32 s31  }
0x48: {  	p0 =	sne.s32 s30, $0x80;
	s30 =	sadd.s32 $0x10, s30;
	_ =	swait.ge [sflag:s21], $0x8000  }
0x49: {  	[sflag:s21] =	ssyncset.done $0x0  }
0x4a: {  	s1 =	sadd.s32 s0, s14;
	[sflag:s21] =	ssyncadd.s32 $0xFFFF8000  }
0x4b: {  	[hbm4b:s1+s25] =	stream.strided.scatter [tilespmem:s19], [sflag:$0x4], $0x8000, s26, s25, $0x38;
	[tilespmem:$0x12C00] =	vst v63  }
0x4c: {  	_ =	swait.ge [sflag:s22], $0x8000  }
0x4d: {  	[sflag:s22] =	ssyncset.done $0x0  }
0x4e: {  	s1 =	sadd.s32 $0xFFFFFE00, s31;
	[sflag:s22] =	ssyncadd.s32 $0xFFFF8000  }
0x4f: {  	[tilespmem:s19], [sflag:$0x2] =	stream.indirect.gather [hbm4b:s4+s15], $0x40, s1, s15, $0xb8;
	[tilespmem:$0x12C00] =	vst v63  }
0x50: {  	_ =	swait.ge [sflag:s23], $0x8000  }
0x51: {  	[sflag:s23] =	ssyncset.done $0x0  }
.Ltmp0:
0x52: {  	s0 =	sadd.s32 s0, s13;
	[sflag:s23] =	ssyncadd.s32 $0xFFFF8000;
	(pc) =	sbr.rel @p0 .LBB2_2-.Ltmp0, $4  }
0x53: {  	[hbm4b:s0+s25] =	stream.strided.scatter [tilespmem:s20], [sflag:$0x4], $0x8000, s26, s25, $0x38;
	[tilespmem:$0x12C00] =	vst v63  }
0x54: {  	_ =	swait.ge [sflag:s22], $0x8000  }
0x55: {  	[sflag:s22] =	ssyncset.done $0x0  }
0x56: {  	s31 =	sadd.s32 $0x400, s31;
	[sflag:s22] =	ssyncadd.s32 $0xFFFF8000  }
0x57: {  	[tilespmem:s20], [sflag:$0x3] =	stream.indirect.gather [hbm4b:s4+s15], $0x40, s29, s15, $0xb8;
	[tilespmem:$0x12C00] =	vst v63  }
0x58: {  	_ =	swait.ge [sflag:s21], $0x8000  }
0x59: {  	[sflag:s21] =	ssyncset.done $0x0  }
0x5a: {  	[sflag:s21] =	ssyncadd.s32 $0xFFFF8000  }
0x5b: {  	[hbm4b:s10+s25] =	stream.strided.scatter [tilespmem:s19], [sflag:$0x4], $0x8000, s26, s25, $0x38;
	[tilespmem:$0x12C00] =	vst v63  }
0x5c: {  	_ =	swait.ge [sflag:s22], $0x8000  }
0x5d: {  	[sflag:s22] =	ssyncset.done $0x0  }
0x5e: {  	[sflag:s22] =	ssyncadd.s32 $0xFFFF8000  }
0x5f: {  	s28 =	sadd.s32 $0x1, s28;
	_ =	swait.ge [sflag:s23], $0x8000  }
0x60: {  	p0 =	sne.s32 s28, s12;
	[sflag:s23] =	ssyncset.done $0x0  }
.Ltmp1:
0x61: {  	[sflag:s23] =	ssyncadd.s32 $0xFFFF8000;
	(pc) =	sbr.rel @p0 .LBB2_1-.Ltmp1, $4  }
0x62: {  	[hbm4b:s11+s25] =	stream.strided.scatter [tilespmem:s20], [sflag:$0x4], $0x8000, s26, s25, $0x38;
	[tilespmem:$0x12C00] =	vst v63  }
0x63: {  	_ =	swait.ge [sflag:s22], $0x8000  }
0x64: {  	[sflag:s22] =	ssyncset.done $0x0  }
0x65: {  	[sflag:s22] =	ssyncadd.s32 $0xFFFF8000  }
0x66: {  	_ =	sfence.sel $0x180000  }
0x67: {  	[bflag:$0x0] =	sbarrier.arrive $0xFFFF  }
0x68: {  	_ =	strace $0x90000047  }
0x69: {  	s0 =	stileid.u32;
	[bflag:$0x2] =	sbarrier.arrive $0xFFFF  }
0x6a: {  	p0 =	sne.s32 s0, $0x0;
	s0 =	rddreg [dreg:$0x6]  }
0x6b: {  	s0 =	sadd.s32 @!p0 $0x100000, s0  }
0x6c: {  	[sflag:s0] =	ssyncadd.tile.s32 @!p0 $0x1;
	_ =	shalt  }
.Lfunc_end2:
_tile_overlayer_lowered:
.L_overlay_start_2:
0x6d: {  	(tag) =	ssettag $0x2  }
0x6e: {  	s0 =	rddreg [dreg:$0x0];
	s2 =	stileid.u32  }
0x6f: {  	s1 =	rddreg [dreg:$0x1];
	p0 =	sne.s32 s2, $0x0  }
0x70: {  	s3 =	rddreg [dreg:$0x2];
	[bflag:$0x3] =	sbarrier.arrive $0xFFFF;
	s2 =	simm.s32 @!p0 $0x1C04  }
0x71: {  	[timem:s3], [sflag:s2] =	dma.local @!p0 [hbm:s0], s1  }
0x72: {  	s0 =	simm.s32 @!p0 $0x4  }
0x73: {  	_ =	swait.ge @!p0 [sflag:s0], s1  }
0x74: {  	s1 =	ssub.s32 @!p0 $0x0, s1;
	[sflag:s0] =	ssyncset.done @!p0 $0x0  }
0x75: {  	[sflag:s0] =	ssyncadd.s32 @!p0 s1  }
0x76: {  	[bflag:$0x3] =	sbarrier.arrive $0xFFFF  }
0x77: {  	_ =	shalt  }

// kernel: sparse-core-data-format-call.cloned.1.call-start
scs
called_computation_lowered:
.L_overlay_start_0:
0x0: {  	s2 =	sld [smem:$0x3FD9]  }
0x1: {  	s3 =	sld [smem:$0x3FFE];
	_ =	sdelay $0x1  }
0x2: {  	s1 =	srdreg.scid  }
0x3: {  	s0 =	sand.u32 $0x1, s1  }
0x4: {  	s15 =	sshll.u32 s0, $0xA;
	s2 =	sadd.s32 s3, s2  }
0x5: {  	s2 =	sadd.s32 s2, s15  }
0x6: {  	[smem:$0x3FC3] =	sst s2  }
0x7: {  	_ = 	snop  }
0x8: {  	s2 =	sld [smem:$0x3FD0];
	_ =	sdelay $0x2  }
0x9: {  	s16 =	simm.s32 $0xA;
	s4 =	simm.s32 $0x10  }
0xa: {  	[smem:s4], [sflag:s16] =	dma.local [hbm:s2], $0x1  }
0xb: {  	_ =	swait.eq [sflag:s16], $0x1  }
0xc: {  	[sflag:s16] =	ssyncset.done $0x0  }
0xd: {  	[sflag:s16] =	ssyncadd.s32 $0xFFFFFFFF  }
0xe: {  	s17 =	sld [smem:$0x12];
	(tm) =	ssettm $0x1  }
0xf: {  	s18 =	sld [smem:$0x3FFB];
	_ =	sdelay $0x3  }
0x10: {  	_ =	strace s18  }
0x11: {  	s3 =	sld [smem:$0x3FFC];
	_ =	sdelay $0x3  }
0x12: {  	_ =	strace s3  }
0x13: {  	s3 =	sld [smem:$0x3FFD];
	_ =	sdelay $0x3  }
0x14: {  	_ =	strace s3  }
0x15: {  	_ =	strace $0x8FFFFFFF  }
0x16: {  	s19 =	sld [smem:$0x3FDB];
	_ =	sdelay $0x1  }
0x17: {  	s20 =	simm.s32 $_scs_section_size  }
0x18: {  	s5 =	simm.s32 $_size__tile_overlayer_lowered;
	s6 =	simm.s32 $_tile_overlayer_lowered  }
0x19: {  	s23 =	simm.s32 $0x1BFF;
	s22 =	sshll.u32 s6, $0x1;
	s3 =	sadd.s32 s20, s19  }
0x1a: {  	s7 =	simm.s32 $0x0;
	s21 =	sshll.u32 s5, $0x1;
	s5 =	sadd.s32 s22, s3  }
0x1b: {  	[timem:s7], [sflag:s23] =	dma.local [hbm:s5], s21  }
0x1c: {  	_ =	swait.ge [sflag:s23], s21  }
0x1d: {  	s4 =	ssub.s32 $0x0, s21;
	[sflag:s23] =	ssyncset.done $0x0  }
0x1e: {  	[sflag:s23] =	ssyncadd.s32 s4;
	_ =	sdelay $0x1  }
0x1f: {  	s24 =	simm.s32 $0x1B8B  }
0x20: {  	_ =	swait.ge [sflag:s24], $0x1  }
0x21: {  	[sflag:s24] =	ssyncset.done $0x0  }
0x22: {  	s26 =	simm.s32 $0x1B8E;
	s25 =	sld [smem:$0x3FFE];
	[sflag:s24] =	ssyncadd.s32 $0xFFFFFFFF  }
0x23: {  	s27 =	simm.s32 $execute0_lowered;
	[smem:$0x3FD2] =	sst s26  }
0x24: {  	s5 =	sshll.u32 s27, $0x1;
	_ =	strace $0x80000049;
	[dreg:$0x1] =	wrdreg $0xFFFFFFFF  }
0x25: {  	s28 =	simm.s32 $_size_execute0_lowered;
	s3 =	sadd.s32 s3, s5;
	[dreg:$0x0] =	wrdreg $0x0  }
0x26: {  	s5 =	sshll.u32 s28, $0x1;
	[dreg:$0x2] =	wrdreg s3  }
0x27: {  	[dreg:$0x3] =	wrdreg s5  }
0x28: {  	[dreg:$0x4] =	wrdreg $0xC0  }
0x29: {  	_ =	task [dreg:s7], $0x5FFFF  }
0x2a: {  	[dreg:$0x1] =	wrdreg $0xFFFFFFFF  }
0x2b: {  	[dreg:$0x0] =	wrdreg $0x60  }
0x2c: {  	[dreg:$0x2] =	wrdreg s25  }
0x2d: {  	[dreg:$0x3] =	wrdreg s17  }
0x2e: {  	[dreg:$0x4] =	wrdreg $0x9  }
0x2f: {  	_ =	task.clear_ibuf [dreg:s7], $0x5FFFF;
	_ =	strace $0x90000049  }
0x30: {  	s29 =	simm.s32 $0x9;
	_ =	strace $0x8000004B  }
0x31: {  	_ =	swait.ge [sflag:s29], $0x1  }
0x32: {  	[sflag:s29] =	ssyncadd.s32 $0xFFFFFFFF  }
0x33: {  	_ =	strace $0x9000004B  }
0x34: {  	_ =	sfence  }
0x35: {  	s30 =	sld [smem:$0x0];
	_ =	sdelay $0x2  }
0x36: {  	s31 =	sshll.u32 s1, $0xD;
	s1 =	sshrl.u32 s1, $0x2  }
0x37: {  	s3 =	sand.u32 $0x4000, s31;
	s1 =	sadd.s32 s1, s30  }
0x38: {  	s0 =	sor.u32 s3, s0;
	s1 =	sshll.u32 s1, $0x11  }
0x39: {  	s0 =	sor.u32 s1, s0  }
0x3a: {  	s0 =	sadd.s32 $0x8F2B, s0  }
0x3b: {  	[sflag:s0] =	ssyncadd.remote.s32 $0x1  }
0x3c: {  	_ =	sfence.sel $0xFFFF  }
0x3d: {  	[dreg:$0x0] =	wrdreg $0xFFFFFFFF;
	(pc) =	sbr.abs _section_cstart, $3  }
0x3e: {  	[dreg:$0x1] =	wrdreg $0xFFFFFFFF  }
0x3f: {  	_ =	task.clear_ibuf [dreg:s7], $0x2FFFF;
	_ =	strace $0x9FFFFFFF  }
0x40: {  	(tm) =	ssettm $0x7FFFFFFF  }
0x41: {  	_ =	shalt  }
tec
execute0_lowered:
.L_overlay_start_1:
0x0: {  	(tag) =	ssettag $0x1  }
0x1: {  	s0 =	srdreg.scid  }
0x2: {  	s1 =	sshll.u32 s0, $0x4  }
0x3: {  	s0 =	stileid.u32;
	s1 =	sand.u32 $0x10, s1  }
0x4: {  	s1 =	sor.u32 s0, s1  }
0x5: {  	s6 =	rddreg [dreg:$0x0];
	s4 =	simm.s32 $0x1;
	s2 =	sshll.u32 s1, $0x7  }
0x6: {  	s7 =	simm.s32 $0x2;
	s13 =	simm.s32 $0x0;
	s1 =	ssub.s32 $0x4000, s2  }
0x7: {  	s8 =	simm.s32 $0x20000;
	s12 =	simm.s32 $0x0;
	s3 =	sand.u32 $0xF80, s1  }
0x8: {  	s9 =	simm.s32 $0x0;
	s5 =	sshrl.u32 s1, $0xC;
	p0 =	sne.s32 s3, $0x0  }
.Ltmp0:
0x9: {  	s1 =	rddreg [dreg:$0x2];
	s4 =	simm.s32 @!p0 $0x0;
	(pc) =	sbr.rel .LBB1_1-.Ltmp0, $4  }
0xa: {  	s11 =	simm.s32 $0x0;
	s3 =	rddreg [dreg:$0x1];
	s5 =	sadd.s32 s4, s5  }
0xb: {  	_ =	strace $0x8000004A;
	s4 =	simm.s32 $0x1;
	s5 =	smul.u32 $0xA, s5  }
0xc: {  	s6 =	sadd.s32 $0x21200, s6;
	s10 =	smov.u32 s2;
	[sflag:s4] =	ssyncpa.u1 $0x0  }
0xd: {  	p0 =	por $0x0, $0x0;
	[sflag:s7] =	ssyncpa.u1 $0x0;
	s7 =	sor.u32 $0x1, s5  }
.LBB1_4:
0xe: {  	v5 =	vld [tilespmem:s16+$0xFFFFFFD0];
	[tilespmem:s17+$0x2040 ss:$0x81] =	vst.msk $0xffff, v3  }
0xf: {  	v58 =	vld [tilespmem:s16+$0xFFFFFFE0];
	[tilespmem:s17+$0x2850 ss:$0x81] =	vst.msk $0xffff, v4;
	s19 =	sshll.u32 s13, $0xE;
	s20 =	sshll.u32 s12, $0x3  }
0x10: {  	s18 =	sshra.s32 s18, $0x2;
	v59 =	vld [tilespmem:s16+$0xFFFFFFF0];
	[tilespmem:s17+$0x3060 ss:$0x81] =	vst.msk $0xffff, v2;
	s19 =	sand.u32 $0xFFFE0000, s19;
	s21 =	sand.u32 $0xFFFFFC00, s20  }
0x11: {  	[tilespmem:s17+$0x0 ss:$0x81] =	vst.msk $0xffff, v0;
	v60 =	vld [tilespmem:s16+$0x0];
	s15 =	sadd.s32 s18, s15;
	s25 =	sadd.s32 s21, s19  }
0x12: {  	v61 =	vld [tilespmem:s16+$0x10];
	[tilespmem:s15+$0x3870 ss:$0x81] =	vst.msk $0xffff, v1;
	s17 =	sshrl.u32 s25, $0xE  }
0x13: {  	v62 =	vld [tilespmem:s16+$0x20];
	s26 =	smulhi.u32 $0x333334, s17;
	[tilespmem:s15+$0x810 ss:$0x81] =	vst.msk $0xffff, v5  }
0x14: {  	v63 =	vld [tilespmem:s16+$0xFFFFFFC0];
	s27 =	sand.u32 $0x78, s12;
	s28 =	sshll.u32 s13, $0x7;
	s29 =	sand.u32 $0x3C00, s20;
	[tilespmem:s15+$0x1020 ss:$0x81] =	vst.msk $0xffff, v58  }
0x15: {  	s13 =	sand.u32 $0x380, s28;
	s16 =	sor.u32 s27, s29;
	[tilespmem:s15+$0x1830 ss:$0x81] =	vst.msk $0xffff, v59;
	s18 =	smul.u32 $0x500, s26  }
0x16: {  	s13 =	sor.u32 s13, s16;
	[tilespmem:s15+$0x2040 ss:$0x81] =	vst.msk $0xffff, v60  }
0x17: {  	s31 =	sand.u32 $0x7, s12;
	s13 =	sshrl.u32 s13, $0x3;
	[tilespmem:s15+$0x2850 ss:$0x81] =	vst.msk $0xffff, v61;
	s30 =	ssub.s32 s17, s18  }
0x18: {  	s12 =	sshll.u32 s31, $0x12;
	[tilespmem:s15+$0x3060 ss:$0x81] =	vst.msk $0xffff, v62;
	s13 =	sadd.s32 s3, s13;
	s16 =	sshll.u32 s30, $0xB  }
0x19: {  	s12 =	sor.u32 $0x400, s12;
	[tilespmem:s15+$0x0 ss:$0x81] =	vst.msk $0xffff, v63;
	s13 =	sadd.s32 s16, s13  }
0x1a: {  	[hbm4b:s13+s12] =	stream.strided.scatter [tilespmem:s14], [sflag:$0x2], $0x4000, s8, s12, $0x20;
	[tilespmem:$0x10100] =	vst v63  }
.LBB1_5:
0x1b: {  	s14 =	sadd.s32 $0x80, s9  }
0x1c: {  	s12 =	sadd.s32 $0x1000, s10;
	s16 =	smov.u32 s10;
	p2 =	sgt.s32 s14, $0x4FF  }
0x1d: {  	s16 =	smov.u32 @p2 s12  }
0x1e: {  	s14 =	simm.s32 @p2 $0x0;
	p2 =	sgt.s32 s16, $0x3FFF  }
0x1f: {  	s16 =	smov.u32 @p2 s2;
	p2 =	sne.s32 s11, s7  }
.Ltmp1:
0x20: {  	p1 =	slt.u32 s11, $0x2;
	(pc) =	sbr.rel @!p2 .LBB1_6-.Ltmp1, $4  }
0x21: {  	s15 =	simm.s32 @!p1 $0x2  }
0x22: {  	s13 =	smov.u32 s9;
	p0 =	por !p0, !p0;
	_ =	swait.ge @!p1 [sflag:s15], $0x4000  }
0x23: {  	s12 =	smov.u32 s10;
	[sflag:s15] =	ssyncset.done @!p1 $0x0;
	s9 =	smov.u32 s14  }
0x24: {  	s11 =	sadd.s32 $0x1, s11;
	[sflag:s15] =	ssyncadd.s32 @!p1 $0xFFFFC000;
	s10 =	smov.u32 s16  }
.LBB1_1:
0x25: {  	p1 =	sge.u32 s11, s5  }
0x26: {  	s14 =	sshrl.u32 @!p1 s10, $0x3  }
0x27: {  	s15 =	sshll.u32 @!p1 s9, $0x3;
	s14 =	smul.u32 @!p1 $0x2800, s14  }
0x28: {  	s16 =	sshll.u32 @!p1 s10, $0x7;
	s15 =	sand.u32 @!p1 $0xFFFFFC00, s15  }
0x29: {  	s14 =	sadd.s32 @!p1 s14, s15;
	s15 =	sand.u32 @!p1 $0x380, s16  }
0x2a: {  	s16 =	sand.u32 @!p1 $0x7F, s9;
	s14 =	sor.u32 @!p1 s15, s14  }
0x2b: {  	s15 =	sor.u32 @!p1 s16, s14  }
0x2c: {  	s16 =	smulhi.u32 @!p1 $0xCCCCCCCD, s15;
	_ =	sdelay $0x1  }
0x2d: {  	s14 =	smulhi.u32 @!p1 $0xCCCCCCCD, s14;
	s16 =	sshrl.u32 @!p1 s16, $0xA  }
0x2e: {  	s16 =	smul.u32 @!p1 $0x500, s16  }
0x2f: {  	s31 =	sadd.s32 $0xFFFFFFFF, s11;
	s17 =	sxor.u32 @!p1 $0xFFFFFFFF, s11;
	s14 =	sshrl.u32 @!p1 s14, $0xA  }
0x30: {  	s17 =	sshll.u32 @!p1 s17, $0xE;
	s14 =	sand.u32 @!p1 $0x3FFF, s14;
	s15 =	ssub.s32 @!p1 s15, s16  }
0x31: {  	s14 =	smul.u32 @!p1 $0xA0, s14;
	s16 =	sshrl.u32 @!p1 s15, $0x3;
	s15 =	sand.u32 @!p1 $0x7, s15  }
0x32: {  	s17 =	sand.u32 @!p1 $0x4000, s17;
	s16 =	sadd.s32 @!p1 s6, s16;
	s15 =	sshll.u32 @!p1 s15, $0x12  }
0x33: {  	s14 =	sadd.s32 @!p1 s14, s16;
	s15 =	sor.u32 @!p1 $0x400, s15;
	s16 =	simm.s32 @!p1 $0x2800  }
0x34: {  	[tilespmem:s17], [sflag:$0x1] =	stream.strided.gather @!p1 [hbm4b:s14+s15], $0x4000, s16, s15, $0x38;
	[tilespmem:$0x10100] =	vst v63  }
0x35: {  	p1 =	sge.u32 s31, s5  }
.Ltmp2:
0x36: {  	_ = 	snop;
	(pc) =	sbr.rel @p1 .LBB1_5-.Ltmp2, $1  }
0x37: {  	_ =	sdelay $0x3  }
0x38: {  	s14 =	simm.s32 $0x1  }
0x39: {  	_ =	swait.ge [sflag:s4], $0x4000;
	s14 =	simm.s32 @!p0 $0x0  }
0x3a: {  	[sflag:s4] =	ssyncset.done $0x0;
	s15 =	sshll.u32 s14, $0xE  }
0x3b: {  	[sflag:s4] =	ssyncadd.s32 $0xFFFFC000;
	s16 =	sor.u32 $0x40, s15  }
0x3c: {  	s14 =	smul.u32 $0x10200, s14;
	v0 =	vld [tilespmem:s16+$0x30]  }
0x3d: {  	v1 =	vld [tilespmem:s16+$0xFFFFFFD0]  }
0x3e: {  	s14 =	sshrl.u32 s14, $0x2;
	v5 =	vld [tilespmem:s16+$0xFFFFFFE0]  }
0x3f: {  	v6 =	vld [tilespmem:s16+$0xFFFFFFF0];
	s15 =	sor.u32 $0x8000, s14  }
0x40: {  	s31 =	sand.u32 $0x1, s11;
	v3 =	vld [tilespmem:s16+$0x0];
	s17 =	sadd.s32 $0x0, s15  }
0x41: {  	v4 =	vld [tilespmem:s16+$0x10];
	s14 =	smul.u32 $0x10200, s31;
	[tilespmem:s17+$0x3870 ss:$0x81] =	vst.msk $0xffff, v0  }
0x42: {  	v2 =	vld [tilespmem:s16+$0x20];
	[tilespmem:s17+$0x810 ss:$0x81] =	vst.msk $0xffff, v1  }
0x43: {  	s14 =	sshrl.u32 s14, $0x2;
	v0 =	vld [tilespmem:s16+$0xFFFFFFC0];
	[tilespmem:s17+$0x1020 ss:$0x81] =	vst.msk $0xffff, v5;
	s16 =	sadd.s32 $0x80, s16  }
0x44: {  	s18 =	simm.s32 $0x4;
	s19 =	simm.s32 $0x8;
	s14 =	sor.u32 $0x8000, s14;
	[tilespmem:s17+$0x1830 ss:$0x81] =	vst.msk $0xffff, v6;
	v1 =	vld [tilespmem:s16+$0x30]  }
.LBB1_3:
0x45: {  	p1 =	sne.s32 s19, $0x1FC;
	v5 =	vld [tilespmem:s16+$0xFFFFFFD0];
	[tilespmem:s17+$0x2040 ss:$0x81] =	vst.msk $0xffff, v3  }
0x46: {  	v6 =	vld [tilespmem:s16+$0xFFFFFFE0];
	[tilespmem:s17+$0x2850 ss:$0x81] =	vst.msk $0xffff, v4  }
0x47: {  	s20 =	sshra.s32 s18, $0x2;
	s18 =	smov.u32 s19;
	v7 =	vld [tilespmem:s16+$0xFFFFFFF0];
	[tilespmem:s17+$0x3060 ss:$0x81] =	vst.msk $0xffff, v2  }
.Ltmp3:
0x48: {  	v3 =	vld [tilespmem:s16+$0x0];
	[tilespmem:s17+$0x0 ss:$0x81] =	vst.msk $0xffff, v0;
	s17 =	sadd.s32 s20, s15;
	(pc) =	sbr.rel @p1 .LBB1_3-.Ltmp3, $4  }
0x49: {  	v4 =	vld [tilespmem:s16+$0x10];
	[tilespmem:s17+$0x3870 ss:$0x81] =	vst.msk $0xffff, v1  }
0x4a: {  	[tilespmem:s17+$0x810 ss:$0x81] =	vst.msk $0xffff, v5;
	v2 =	vld [tilespmem:s16+$0x20]  }
0x4b: {  	v0 =	vld [tilespmem:s16+$0xFFFFFFC0];
	[tilespmem:s17+$0x1020 ss:$0x81] =	vst.msk $0xffff, v6;
	s16 =	sadd.s32 $0x80, s16  }
0x4c: {  	s19 =	sadd.s32 $0x4, s19;
	v1 =	vld [tilespmem:s16+$0x30];
	[tilespmem:s17+$0x1830 ss:$0x81] =	vst.msk $0xffff, v7  }
.Ltmp4:
0x4d: {  	_ = 	snop;
	(pc) =	sbr.rel .LBB1_4-.Ltmp4, $1  }
0x4e: {  	_ =	sdelay $0x3  }
.LBB1_6:
0x4f: {  	_ =	sfence.sel $0x180000  }
0x50: {  	s2 =	simm.s32 $0x1;
	[bflag:$0x0] =	sbarrier.arrive $0xFFFF  }
0x51: {  	s31 =	simm.s32 $0x2;
	[sflag:s2] =	ssyncpa.u1 $0x1  }
0x52: {  	[sflag:s31] =	ssyncpa.u1 $0x1  }
0x53: {  	p0 =	sne.s32 s0, $0x0;
	_ =	strace $0x9000004A  }
0x54: {  	s0 =	sadd.s32 @!p0 $0x100000, s1;
	[bflag:$0x2] =	sbarrier.arrive $0xFFFF  }
0x55: {  	[sflag:s0] =	ssyncadd.tile.s32 @!p0 $0x1;
	_ =	shalt  }
.Lfunc_end1:
_tile_overlayer_lowered:
.L_overlay_start_2:
0x56: {  	(tag) =	ssettag $0x2  }
0x57: {  	s0 =	rddreg [dreg:$0x0];
	s2 =	stileid.u32  }
0x58: {  	s1 =	rddreg [dreg:$0x1];
	p0 =	sne.s32 s2, $0x0  }
0x59: {  	s3 =	rddreg [dreg:$0x2];
	[bflag:$0x3] =	sbarrier.arrive $0xFFFF;
	s2 =	simm.s32 @!p0 $0x1C01  }
0x5a: {  	[timem:s3], [sflag:s2] =	dma.local @!p0 [hbm:s0], s1  }
0x5b: {  	s0 =	simm.s32 @!p0 $0x1  }
0x5c: {  	_ =	swait.ge @!p0 [sflag:s0], s1  }
0x5d: {  	s1 =	ssub.s32 @!p0 $0x0, s1;
	[sflag:s0] =	ssyncset.done @!p0 $0x0  }
0x5e: {  	[sflag:s0] =	ssyncadd.s32 @!p0 s1  }
0x5f: {  	[bflag:$0x3] =	sbarrier.arrive $0xFFFF  }
0x60: {  	_ =	shalt  }

</sc_bundles>
